<compile_context>
chip_gen: v7x
topology: tpu7x:2x2x1
jax: 0.10.2.dev20260603
libtpu: 0.0.44.dev20260713+nightly
codegen_flags: <defaults>
</compile_context>

<pallas_src>
import jax
import jax.numpy as jnp
from jax import lax
from jax.experimental import pallas as pl
from jax.experimental.pallas import tpu as pltpu
from jax.experimental.pallas import tpu_sc as plsc

N = 10000
E = 320000
D = 128
R = 4
NC = 2
NS = 16
CW = 32
NCH = D // CW
STREAM = 400
SEGROWS = R * N
EPC = E // (NC * NS)
EPA = E // NS

_MESH = dict(core_axis_name="c", subcore_axis_name="s", num_cores=NC,
             num_subcores=NS)


def _i32(v):
    return jnp.int32(v)


def _fori(n, body):
    lax.fori_loop(jnp.int32(0), jnp.int32(n), body, jnp.int32(0))


def _zero_fill(ref, nrows, width):
    def body(j, carry):
        for k in range(width // 16):
            ref[j, pl.ds(k * 16, 16)] = jnp.zeros((16,), jnp.float32)
        return carry
    _fori(nrows, body)


CB = 2000


def _count_body(dst1, et1, seg1, cnt_a, cnt_b, cntsh, dstv, etv, segv, segc,
                ones, zb, sem):
    core = lax.axis_index("c")
    sub = lax.axis_index("s")
    _zero_fill(zb, 500, 16)
    def ones_body(j, carry):
        ones[j, :] = jnp.ones((16,), jnp.float32)
        return carry
    _fori(CB, ones_body)
    r0 = sub * _i32(SEGROWS // NS)
    for k in range(SEGROWS // NS // 500):
        pltpu.sync_copy(zb, cntsh.at[pl.ds(r0 + k * 500, 500)])
    plsc.subcore_barrier()

    wid = core * NS + sub
    n_outer = EPC // CB

    def outer(i, carry):
        eb = wid * _i32(EPC) + i * _i32(CB)
        pltpu.sync_copy(dst1.at[pl.ds(eb, CB)], dstv)
        pltpu.sync_copy(et1.at[pl.ds(eb, CB)], etv)

        def comp(j, c2):
            sl = pl.ds(j * 16, 16)
            dv = dstv[sl]
            ev = etv[sl]
            segv[sl] = ev * _i32(N) + dv
            segc[sl] = dv * _i32(R) + ev
            return c2
        _fori(CB // 16, comp)
        pltpu.sync_copy(segv, seg1.at[pl.ds(eb, CB)])
        pltpu.async_copy(ones, cntsh.at[segc], sem, add=True).wait()
        return carry
    _fori(n_outer, outer)
    plsc.subcore_barrier()

    stripe = SEGROWS // NS
    @pl.when(core == 0)
    def _():
        pltpu.sync_copy(cntsh.at[pl.ds(r0, stripe)],
                        cnt_a.at[pl.ds(r0, stripe)])
    @pl.when(core == 1)
    def _():
        pltpu.sync_copy(cntsh.at[pl.ds(r0, stripe)],
                        cnt_b.at[pl.ds(r0, stripe)])


@jax.jit
def _count_kernel(dst1, et1):
    mesh = plsc.VectorSubcoreMesh(**_MESH)
    return pl.kernel(
        _count_body,
        out_type=[
            jax.ShapeDtypeStruct((E,), jnp.int32),
            jax.ShapeDtypeStruct((SEGROWS, 16), jnp.float32),
            jax.ShapeDtypeStruct((SEGROWS, 16), jnp.float32),
        ],
        mesh=mesh,
        compiler_params=pltpu.CompilerParams(use_tc_tiling_on_sc=False),
        scratch_types=[
            pltpu.VMEM_SHARED((SEGROWS, 16), jnp.float32),
            pltpu.VMEM((CB,), jnp.int32),
            pltpu.VMEM((CB,), jnp.int32),
            pltpu.VMEM((CB,), jnp.int32),
            pltpu.VMEM((CB,), jnp.int32),
            pltpu.VMEM((CB, 16), jnp.float32),
            pltpu.VMEM((500, 16), jnp.float32),
            pltpu.SemaphoreType.DMA,
        ],
    )(dst1, et1)


def _agg_body(t0, t1, src1, seg1, a0, a1,
              accsh, sidx, segv, rows, zb, isem, gsem, ssem):
    core = lax.axis_index("c")
    sub = lax.axis_index("s")
    def zb_body(j, carry):
        zb[j, :] = jnp.zeros((32,), jnp.bfloat16)
        return carry
    _fori(250, zb_body)
    tables = [t0, t1]
    outs = [a0, a1]
    r0 = sub * _i32(SEGROWS // NS)
    stripe = SEGROWS // NS
    n_outer = EPA // STREAM

    def scatter_pass(table):
        idx_cps = {}

        def fire_idx(i):
            bb = _i32(i % 3)
            eb = sub * _i32(EPA) + _i32(i * STREAM)
            idx_cps[i] = (
                pltpu.async_copy(src1.at[pl.ds(eb, STREAM)], sidx.at[bb], isem),
                pltpu.async_copy(seg1.at[pl.ds(eb, STREAM)], segv.at[bb], isem),
            )

        fire_idx(0)
        pend = {}
        for i in range(n_outer):
            b3 = _i32(i % 3)
            b2 = _i32(i % 2)
            for cp in idx_cps.pop(i):
                cp.wait()
            if i >= 2:
                pend.pop(i - 2).wait()
            if i + 1 < n_outer:
                fire_idx(i + 1)
            gcp = pltpu.async_copy(table.at[sidx.at[b3]], rows.at[b2], gsem)
            gcp.wait()
            pend[i] = pltpu.async_copy(rows.at[b2], accsh.at[segv.at[b3]],
                                       ssem, add=True)
        for gi in sorted(pend):
            pend[gi].wait()

    for k in range(stripe // 250):
        pltpu.sync_copy(zb, accsh.at[pl.ds(r0 + k * 250, 250)])
    plsc.subcore_barrier()
    for ch in range(2):
        @pl.when(core == ch)
        def _(ch=ch):
            scatter_pass(tables[ch])
    plsc.subcore_barrier()
    plane = sub // _i32(N // (SEGROWS // NS))
    prow = (sub % _i32(N // (SEGROWS // NS))) * _i32(stripe)
    for ch in range(2):
        @pl.when(core == ch)
        def _(ch=ch):
            pltpu.sync_copy(accsh.at[pl.ds(r0, stripe)],
                            outs[ch].at[plane, pl.ds(prow, stripe)])


@jax.jit
def _agg_kernel(t0, t1, src1, seg1):
    mesh = plsc.VectorSubcoreMesh(**_MESH)
    out = jax.ShapeDtypeStruct((R, N, CW), jnp.bfloat16)
    return pl.kernel(
        _agg_body,
        out_type=[out, out],
        mesh=mesh,
        compiler_params=pltpu.CompilerParams(use_tc_tiling_on_sc=False),
        scratch_types=[
            pltpu.VMEM_SHARED((SEGROWS, CW), jnp.bfloat16),
            pltpu.VMEM((3, STREAM), jnp.int32),
            pltpu.VMEM((3, STREAM), jnp.int32),
            pltpu.VMEM((2, STREAM, CW), jnp.bfloat16),
            pltpu.VMEM((250, CW), jnp.bfloat16),
            pltpu.SemaphoreType.DMA,
            pltpu.SemaphoreType.DMA,
            pltpu.SemaphoreType.DMA,
        ],
    )(t0, t1, src1, seg1)


BN = 200


def _combine_body_hc(a0, a1, a2, a3, cnt, xr, wfull, wroot, b,
                     h, hc0, hc1, hc2, hc3):
    _combine_core(a0, a1, a2, a3, cnt, xr, wfull, wroot, b,
                  h, [hc0, hc1, hc2, hc3])


def _combine_body_last(a0, a1, a2, a3, cnt, xr, wfull, wroot, b, h):
    _combine_core(a0, a1, a2, a3, cnt, xr, wfull, wroot, b, h, None)


def _combine_core(a0, a1, a2, a3, cnt, xr, wfull, wroot, b, h, hcs):
    cntarr = cnt[...]
    rec = 1.0 / jnp.maximum(cntarr[0] + cntarr[1], 1.0)
    acc = jnp.dot(xr[...], wroot[...], preferred_element_type=jnp.float32)
    arefs = [a0, a1, a2, a3]
    pieces = []
    for r in range(R):
        mr = jnp.concatenate([arefs[c][r] for c in range(NCH)], axis=1)
        pieces.append(mr.astype(jnp.float32) * rec[:, r:r + 1])
    m = jnp.concatenate(pieces, axis=1)
    acc = acc + jnp.dot(m, wfull[...], preferred_element_type=jnp.float32)
    out = jnp.maximum(acc + b[...], 0.0)
    h[...] = out
    if hcs is not None:
        for c in range(NCH):
            hcs[c][...] = out[:, c * CW:(c + 1) * CW].astype(jnp.bfloat16)


def _make_combine(emit_hc):
    body = _combine_body_hc if emit_hc else _combine_body_last
    z = lambda: jnp.int32(0)
    ablock = pl.BlockSpec((R, BN, CW), lambda i: (z(), i, z()))
    out_specs = [
        pl.BlockSpec((BN, D), lambda i: (i, z())),
    ]
    out_shape = [
        jax.ShapeDtypeStruct((N, D), jnp.float32),
    ]
    if emit_hc:
        out_specs += [pl.BlockSpec((BN, CW), lambda i: (i, z()))] * NCH
        out_shape += [jax.ShapeDtypeStruct((N, CW), jnp.bfloat16)] * NCH

    @jax.jit
    def run(a0, a1, a2, a3, cnt, xin, wfull, wroot, b):
        return pl.pallas_call(
            body,
            grid=(N // BN,),
            in_specs=[
                ablock, ablock, ablock, ablock,
                pl.BlockSpec((2, BN, R), lambda i: (z(), i, z())),
                pl.BlockSpec((BN, D), lambda i: (i, z())),
                pl.BlockSpec((R * D, D), lambda i: (z(), z())),
                pl.BlockSpec((D, D), lambda i: (z(), z())),
                pl.BlockSpec((1, D), lambda i: (z(), z())),
            ],
            out_specs=out_specs,
            out_shape=out_shape,
        )(a0, a1, a2, a3, cnt, xin, wfull, wroot, b)
    return run


_combine_hc = _make_combine(True)
_combine_last = _make_combine(False)


def _layer(tables, src1, seg1, cnt, xin, Wr, Wroot, b, last):
    a01 = _agg_kernel(tables[0], tables[1], src1, seg1)
    a23 = _agg_kernel(tables[2], tables[3], src1, seg1)
    a = list(a01) + list(a23)
    wfull = Wr.astype(jnp.float32).reshape(R * D, D)
    fn = _combine_last if last else _combine_hc
    res = fn(a[0], a[1], a[2], a[3], cnt, xin, wfull,
             Wroot.astype(jnp.float32),
             b.reshape(1, D).astype(jnp.float32))
    if last:
        return res[0], []
    return res[0], list(res[1:])


def kernel(x, edge_index, edge_attr, Wr1, Wroot1, b1, Wr2, Wroot2, b2):
    x = x.astype(jnp.float32)
    src1 = edge_index[0].astype(jnp.int32)
    dst1 = edge_index[1].astype(jnp.int32)
    et1 = edge_attr[:, 0].astype(jnp.int32)

    seg1, cnt_a, cnt_b = _count_kernel(dst1, et1)
    cnt = jnp.stack([cnt_a[:, 0].reshape(N, R), cnt_b[:, 0].reshape(N, R)])

    xb = x.astype(jnp.bfloat16)
    tables1 = [xb[:, c * CW:(c + 1) * CW] for c in range(NCH)]
    h1, tables2 = _layer(tables1, src1, seg1, cnt, x, Wr1, Wroot1, b1,
                         last=False)
    h2, _ = _layer(tables2, src1, seg1, cnt, h1, Wr2, Wroot2, b2,
                   last=True)
    return jnp.stack([h1, h2]).astype(jnp.float64)

# --- scband reference (transcript-rebuilt; emitter-appended) ---
"""Pipeline reference for scband-conv-pipe-61770219651495 (READ-ONLY COPY).

The authoritative reference and input builder live on the scoring server;
editing this copy changes nothing except your own understanding.
"""

import jax, jax.numpy as jnp
import numpy as np

jax.config.update("jax_enable_x64", True)

N = 10000
E = 320000
D = 128
R = 4
NUM_LAYERS = 2


def setup_inputs(seed: int = 0) -> dict:
    key = jax.random.key(seed)
    ks = jax.random.split(key, 12)
    x = jax.random.normal(ks[0], (N, D), dtype=jnp.float32)
    edge_index = jax.random.randint(ks[1], (2, E), 0, N, dtype=jnp.int64)
    edge_attr = jax.random.randint(ks[2], (E, 1), 0, R, dtype=jnp.int64)
    s = 1.0 / np.sqrt(D)
    Wr1 = jax.random.normal(ks[3], (R, D, D), dtype=jnp.float32) * s
    Wroot1 = jax.random.normal(ks[4], (D, D), dtype=jnp.float32) * s
    b1 = jnp.zeros((D,), dtype=jnp.float32)
    Wr2 = jax.random.normal(ks[5], (R, D, D), dtype=jnp.float32) * s
    Wroot2 = jax.random.normal(ks[6], (D, D), dtype=jnp.float32) * s
    b2 = jnp.zeros((D,), dtype=jnp.float32)
    return {"x": x, "edge_index": edge_index, "edge_attr": edge_attr,
            "Wr1": Wr1, "Wroot1": Wroot1, "b1": b1,
            "Wr2": Wr2, "Wroot2": Wroot2, "b2": b2}


def _rgcn_layer(x, edge_index, edge_type, Wr, Wroot, b):
    # Relational GCN layer: per-relation linear transform, mean aggregation
    # per (dst, relation), summed over relations, plus root transform + bias.
    src = edge_index[0]
    dst = edge_index[1]
    # Transform node features per relation: [R, N, D]
    xs = jnp.einsum('nd,rdf->rnf', x, Wr)
    # Gather per-edge messages (SparseCore-style gather)
    msg = xs[edge_type, src]  # [E, D]
    # Mean aggregation per (dst, relation) via segment_sum
    seg = dst * R + edge_type
    sums = jax.ops.segment_sum(msg, seg, num_segments=N * R)
    cnt = jax.ops.segment_sum(jnp.ones((E, 1), dtype=x.dtype), seg, num_segments=N * R)
    means = sums / jnp.clip(cnt, 1.0)
    agg = means.reshape(N, R, D).sum(axis=1)
    return agg + x @ Wroot + b


def reference(x, edge_index, edge_attr, Wr1, Wroot1, b1, Wr2, Wroot2, b2):
    edge_type = edge_attr.squeeze(1)
    emb_layers = []
    h = x
    h = jax.nn.relu(_rgcn_layer(h, edge_index, edge_type, Wr1, Wroot1, b1))
    emb_layers.append(h)
    h = jax.nn.relu(_rgcn_layer(h, edge_index, edge_type, Wr2, Wroot2, b2))
    emb_layers.append(h)
    return jnp.stack(emb_layers)

if __name__ == "__main__":
    import jax
    _d = setup_inputs()
    print(jax.jit(kernel)(*tuple(_d.values())))

</pallas_src>

<mosaic_0001>
#map = affine_map<(d0, d1) -> (0)>
#map1 = affine_map<(d0, d1) -> (0, 0)>
module attributes {stable_mosaic.version = 14 : i64} {
  func.func @_count_body(%arg0: i32, %arg1: i32, %arg2: memref<320000xi32, #tpu.memory_space<hbm>>, %arg3: memref<320000xi32, #tpu.memory_space<hbm>>, %arg4: memref<320000xi32, #tpu.memory_space<hbm>>, %arg5: memref<40000x16xf32, #tpu.memory_space<hbm>>, %arg6: memref<40000x16xf32, #tpu.memory_space<hbm>>, %arg7: memref<40000x16xf32, #tpu.memory_space<vmem_shared>>, %arg8: memref<2000xi32, #tpu.memory_space<vmem>>, %arg9: memref<2000xi32, #tpu.memory_space<vmem>>, %arg10: memref<2000xi32, #tpu.memory_space<vmem>>, %arg11: memref<2000xi32, #tpu.memory_space<vmem>>, %arg12: memref<2000x16xf32, #tpu.memory_space<vmem>>, %arg13: memref<500x16xf32, #tpu.memory_space<vmem>>, %arg14: memref<!tpu.dma_semaphore, #tpu.memory_space<semaphore_mem>>) attributes {dimension_semantics = [#tpu.dimension_semantics<core_parallel>, #tpu.dimension_semantics<subcore_parallel>], iteration_bounds = array<i64: 2, 16>, scalar_prefetch = 0 : i64, scratch_operands = 8 : i64, tpu.core_type = #tpu.core_type<sc_vector_subcore>, window_params = [{transform_indices = #map}, {transform_indices = #map}, {transform_indices = #map}, {transform_indices = #map1}, {transform_indices = #map1}]} {
    %while3A = arith.constant 0 : i32
    %while3A_0 = arith.constant 0 : i32
    %while3A_1 = arith.constant 500 : i32
    %while3A_2 = arith.subi %while3A_1, %while3A_0 : i32
    %while3A_3 = arith.addi %while3A_0, %while3A_2 : i32
    %while3A_4 = arith.constant 1 : i32
    %while3A_5 = arith.divsi %while3A_2, %while3A_4 : i32
    %while3A_6 = arith.muli %while3A_5, %while3A_4 : i32
    %while3A_7 = arith.addi %while3A_0, %while3A_6 : i32
    %while3A_8 = arith.constant 1 : i32
    scf.for %while3A_53 = %while3A_0 to %while3A_7 step %while3A_8  : i32 {
      %broadcast_in_dim3A = arith.constant 0.000000e+00 : f32
      %broadcast_in_dim3A_54 = vector.broadcast %broadcast_in_dim3A : f32 to vector<16xf32>
      %swap3A = arith.index_cast %while3A_53 : i32 to index
      %swap3A_55 = arith.constant 0 : index
      %swap3A_56 = tpu.vector_load %arg13[%swap3A, %swap3A_55] {strides = array<i32>} : memref<500x16xf32, #tpu.memory_space<vmem>>, vector<1x16xf32>,
      %swap3A_57 = vector.shape_cast %swap3A_56 : vector<1x16xf32> to vector<16xf32>
      %swap3A_58 = vector.shape_cast %broadcast_in_dim3A_54 : vector<16xf32> to vector<1x16xf32>
      tpu.vector_store %arg13[%swap3A, %swap3A_55], %swap3A_58 {strides = array<i32>} : memref<500x16xf32, #tpu.memory_space<vmem>>, vector<1x16xf32>,
    }
    %while3A_9 = arith.constant 1 : i32
    scf.for %while3A_53 = %while3A_7 to %while3A_3 step %while3A_9  : i32 {
      %broadcast_in_dim3A = arith.constant 0.000000e+00 : f32
      %broadcast_in_dim3A_54 = vector.broadcast %broadcast_in_dim3A : f32 to vector<16xf32>
      %swap3A = arith.index_cast %while3A_53 : i32 to index
      %swap3A_55 = arith.constant 0 : index
      %swap3A_56 = tpu.vector_load %arg13[%swap3A, %swap3A_55] {strides = array<i32>} : memref<500x16xf32, #tpu.memory_space<vmem>>, vector<1x16xf32>,
      %swap3A_57 = vector.shape_cast %swap3A_56 : vector<1x16xf32> to vector<16xf32>
      %swap3A_58 = vector.shape_cast %broadcast_in_dim3A_54 : vector<16xf32> to vector<1x16xf32>
      tpu.vector_store %arg13[%swap3A, %swap3A_55], %swap3A_58 {strides = array<i32>} : memref<500x16xf32, #tpu.memory_space<vmem>>, vector<1x16xf32>,
    }
    %while3A_10 = arith.constant 0 : i32
    %while3A_11 = arith.constant 0 : i32
    %while3A_12 = arith.constant 2000 : i32
    %while3A_13 = arith.subi %while3A_12, %while3A_11 : i32
    %while3A_14 = arith.addi %while3A_11, %while3A_13 : i32
    %while3A_15 = arith.constant 1 : i32
    %while3A_16 = arith.divsi %while3A_13, %while3A_15 : i32
    %while3A_17 = arith.muli %while3A_16, %while3A_15 : i32
    %while3A_18 = arith.addi %while3A_11, %while3A_17 : i32
    %while3A_19 = arith.constant 1 : i32
    scf.for %while3A_53 = %while3A_11 to %while3A_18 step %while3A_19  : i32 {
      %broadcast_in_dim3A = arith.constant 1.000000e+00 : f32
      %broadcast_in_dim3A_54 = vector.broadcast %broadcast_in_dim3A : f32 to vector<16xf32>
      %swap3A = arith.index_cast %while3A_53 : i32 to index
      %swap3A_55 = arith.constant 0 : index
      %swap3A_56 = tpu.vector_load %arg12[%swap3A, %swap3A_55] {strides = array<i32>} : memref<2000x16xf32, #tpu.memory_space<vmem>>, vector<1x16xf32>,
      %swap3A_57 = vector.shape_cast %swap3A_56 : vector<1x16xf32> to vector<16xf32>
      %swap3A_58 = vector.shape_cast %broadcast_in_dim3A_54 : vector<16xf32> to vector<1x16xf32>
      tpu.vector_store %arg12[%swap3A, %swap3A_55], %swap3A_58 {strides = array<i32>} : memref<2000x16xf32, #tpu.memory_space<vmem>>, vector<1x16xf32>,
    }
    %while3A_20 = arith.constant 1 : i32
    scf.for %while3A_53 = %while3A_18 to %while3A_14 step %while3A_20  : i32 {
      %broadcast_in_dim3A = arith.constant 1.000000e+00 : f32
      %broadcast_in_dim3A_54 = vector.broadcast %broadcast_in_dim3A : f32 to vector<16xf32>
      %swap3A = arith.index_cast %while3A_53 : i32 to index
      %swap3A_55 = arith.constant 0 : index
      %swap3A_56 = tpu.vector_load %arg12[%swap3A, %swap3A_55] {strides = array<i32>} : memref<2000x16xf32, #tpu.memory_space<vmem>>, vector<1x16xf32>,
      %swap3A_57 = vector.shape_cast %swap3A_56 : vector<1x16xf32> to vector<16xf32>
      %swap3A_58 = vector.shape_cast %broadcast_in_dim3A_54 : vector<16xf32> to vector<1x16xf32>
      tpu.vector_store %arg12[%swap3A, %swap3A_55], %swap3A_58 {strides = array<i32>} : memref<2000x16xf32, #tpu.memory_space<vmem>>, vector<1x16xf32>,
    }
    %mul3A = arith.constant 2500 : i32
    %mul3A_21 = arith.muli %arg1, %mul3A : i32
    %add3A = arith.constant 0 : i32
    %add3A_22 = arith.addi %mul3A_21, %add3A : i32
    "tpu.region"() ({
      %run_scoped3A = tpu.sem_alloc : memref<!tpu.dma_semaphore, #tpu.memory_space<semaphore_mem>>
      %dma_start3A = arith.constant 0 : i32
      %dma_start3A_53 = tpu.memref_slice %arg7[%add3A_22, %dma_start3A] : memref<40000x16xf32, #tpu.memory_space<vmem_shared>> -> memref<500x16xf32, #tpu.memory_space<vmem_shared>>
      %dma_start3A_54 = arith.constant 0 : i32
      %dma_start3A_55 = tpu.memref_slice %arg7[%add3A_22, %dma_start3A_54] : memref<40000x16xf32, #tpu.memory_space<vmem_shared>> -> memref<500x16xf32, #tpu.memory_space<vmem_shared>>
      tpu.enqueue_dma source(%arg13 : memref<500x16xf32, #tpu.memory_space<vmem>>) target(%dma_start3A_55 : memref<500x16xf32, #tpu.memory_space<vmem_shared>>) target_semaphore(%run_scoped3A : memref<!tpu.dma_semaphore, #tpu.memory_space<semaphore_mem>>)
      %dma_wait3A = arith.constant 0 : i32
      %dma_wait3A_56 = tpu.memref_slice %arg7[%add3A_22, %dma_wait3A] : memref<40000x16xf32, #tpu.memory_space<vmem_shared>> -> memref<500x16xf32, #tpu.memory_space<vmem_shared>>
      %dma_wait3A_57 = arith.constant 0 : i32
      %dma_wait3A_58 = tpu.memref_slice %arg7[%add3A_22, %dma_wait3A_57] : memref<40000x16xf32, #tpu.memory_space<vmem_shared>> -> memref<500x16xf32, #tpu.memory_space<vmem_shared>>
      tpu.wait_dma2 semaphore(%run_scoped3A : memref<!tpu.dma_semaphore, #tpu.memory_space<semaphore_mem>>) src(%arg13 : memref<500x16xf32, #tpu.memory_space<vmem>>) dst(%dma_wait3A_58 : memref<500x16xf32, #tpu.memory_space<vmem_shared>>)
      tpu.yield
    }) : () -> ()
    %add3A_23 = arith.constant 500 : i32
    %add3A_24 = arith.addi %mul3A_21, %add3A_23 : i32
    "tpu.region"() ({
      %run_scoped3A = tpu.sem_alloc : memref<!tpu.dma_semaphore, #tpu.memory_space<semaphore_mem>>
      %dma_start3A = arith.constant 0 : i32
      %dma_start3A_53 = tpu.memref_slice %arg7[%add3A_24, %dma_start3A] : memref<40000x16xf32, #tpu.memory_space<vmem_shared>> -> memref<500x16xf32, #tpu.memory_space<vmem_shared>>
      %dma_start3A_54 = arith.constant 0 : i32
      %dma_start3A_55 = tpu.memref_slice %arg7[%add3A_24, %dma_start3A_54] : memref<40000x16xf32, #tpu.memory_space<vmem_shared>> -> memref<500x16xf32, #tpu.memory_space<vmem_shared>>
      tpu.enqueue_dma source(%arg13 : memref<500x16xf32, #tpu.memory_space<vmem>>) target(%dma_start3A_55 : memref<500x16xf32, #tpu.memory_space<vmem_shared>>) target_semaphore(%run_scoped3A : memref<!tpu.dma_semaphore, #tpu.memory_space<semaphore_mem>>)
      %dma_wait3A = arith.constant 0 : i32
      %dma_wait3A_56 = tpu.memref_slice %arg7[%add3A_24, %dma_wait3A] : memref<40000x16xf32, #tpu.memory_space<vmem_shared>> -> memref<500x16xf32, #tpu.memory_space<vmem_shared>>
      %dma_wait3A_57 = arith.constant 0 : i32
      %dma_wait3A_58 = tpu.memref_slice %arg7[%add3A_24, %dma_wait3A_57] : memref<40000x16xf32, #tpu.memory_space<vmem_shared>> -> memref<500x16xf32, #tpu.memory_space<vmem_shared>>
      tpu.wait_dma2 semaphore(%run_scoped3A : memref<!tpu.dma_semaphore, #tpu.memory_space<semaphore_mem>>) src(%arg13 : memref<500x16xf32, #tpu.memory_space<vmem>>) dst(%dma_wait3A_58 : memref<500x16xf32, #tpu.memory_space<vmem_shared>>)
      tpu.yield
    }) : () -> ()
    %add3A_25 = arith.constant 1000 : i32
    %add3A_26 = arith.addi %mul3A_21, %add3A_25 : i32
    "tpu.region"() ({
      %run_scoped3A = tpu.sem_alloc : memref<!tpu.dma_semaphore, #tpu.memory_space<semaphore_mem>>
      %dma_start3A = arith.constant 0 : i32
      %dma_start3A_53 = tpu.memref_slice %arg7[%add3A_26, %dma_start3A] : memref<40000x16xf32, #tpu.memory_space<vmem_shared>> -> memref<500x16xf32, #tpu.memory_space<vmem_shared>>
      %dma_start3A_54 = arith.constant 0 : i32
      %dma_start3A_55 = tpu.memref_slice %arg7[%add3A_26, %dma_start3A_54] : memref<40000x16xf32, #tpu.memory_space<vmem_shared>> -> memref<500x16xf32, #tpu.memory_space<vmem_shared>>
      tpu.enqueue_dma source(%arg13 : memref<500x16xf32, #tpu.memory_space<vmem>>) target(%dma_start3A_55 : memref<500x16xf32, #tpu.memory_space<vmem_shared>>) target_semaphore(%run_scoped3A : memref<!tpu.dma_semaphore, #tpu.memory_space<semaphore_mem>>)
      %dma_wait3A = arith.constant 0 : i32
      %dma_wait3A_56 = tpu.memref_slice %arg7[%add3A_26, %dma_wait3A] : memref<40000x16xf32, #tpu.memory_space<vmem_shared>> -> memref<500x16xf32, #tpu.memory_space<vmem_shared>>
      %dma_wait3A_57 = arith.constant 0 : i32
      %dma_wait3A_58 = tpu.memref_slice %arg7[%add3A_26, %dma_wait3A_57] : memref<40000x16xf32, #tpu.memory_space<vmem_shared>> -> memref<500x16xf32, #tpu.memory_space<vmem_shared>>
      tpu.wait_dma2 semaphore(%run_scoped3A : memref<!tpu.dma_semaphore, #tpu.memory_space<semaphore_mem>>) src(%arg13 : memref<500x16xf32, #tpu.memory_space<vmem>>) dst(%dma_wait3A_58 : memref<500x16xf32, #tpu.memory_space<vmem_shared>>)
      tpu.yield
    }) : () -> ()
    %add3A_27 = arith.constant 1500 : i32
    %add3A_28 = arith.addi %mul3A_21, %add3A_27 : i32
    "tpu.region"() ({
      %run_scoped3A = tpu.sem_alloc : memref<!tpu.dma_semaphore, #tpu.memory_space<semaphore_mem>>
      %dma_start3A = arith.constant 0 : i32
      %dma_start3A_53 = tpu.memref_slice %arg7[%add3A_28, %dma_start3A] : memref<40000x16xf32, #tpu.memory_space<vmem_shared>> -> memref<500x16xf32, #tpu.memory_space<vmem_shared>>
      %dma_start3A_54 = arith.constant 0 : i32
      %dma_start3A_55 = tpu.memref_slice %arg7[%add3A_28, %dma_start3A_54] : memref<40000x16xf32, #tpu.memory_space<vmem_shared>> -> memref<500x16xf32, #tpu.memory_space<vmem_shared>>
      tpu.enqueue_dma source(%arg13 : memref<500x16xf32, #tpu.memory_space<vmem>>) target(%dma_start3A_55 : memref<500x16xf32, #tpu.memory_space<vmem_shared>>) target_semaphore(%run_scoped3A : memref<!tpu.dma_semaphore, #tpu.memory_space<semaphore_mem>>)
      %dma_wait3A = arith.constant 0 : i32
      %dma_wait3A_56 = tpu.memref_slice %arg7[%add3A_28, %dma_wait3A] : memref<40000x16xf32, #tpu.memory_space<vmem_shared>> -> memref<500x16xf32, #tpu.memory_space<vmem_shared>>
      %dma_wait3A_57 = arith.constant 0 : i32
      %dma_wait3A_58 = tpu.memref_slice %arg7[%add3A_28, %dma_wait3A_57] : memref<40000x16xf32, #tpu.memory_space<vmem_shared>> -> memref<500x16xf32, #tpu.memory_space<vmem_shared>>
      tpu.wait_dma2 semaphore(%run_scoped3A : memref<!tpu.dma_semaphore, #tpu.memory_space<semaphore_mem>>) src(%arg13 : memref<500x16xf32, #tpu.memory_space<vmem>>) dst(%dma_wait3A_58 : memref<500x16xf32, #tpu.memory_space<vmem_shared>>)
      tpu.yield
    }) : () -> ()
    %add3A_29 = arith.constant 2000 : i32
    %add3A_30 = arith.addi %mul3A_21, %add3A_29 : i32
    "tpu.region"() ({
      %run_scoped3A = tpu.sem_alloc : memref<!tpu.dma_semaphore, #tpu.memory_space<semaphore_mem>>
      %dma_start3A = arith.constant 0 : i32
      %dma_start3A_53 = tpu.memref_slice %arg7[%add3A_30, %dma_start3A] : memref<40000x16xf32, #tpu.memory_space<vmem_shared>> -> memref<500x16xf32, #tpu.memory_space<vmem_shared>>
      %dma_start3A_54 = arith.constant 0 : i32
      %dma_start3A_55 = tpu.memref_slice %arg7[%add3A_30, %dma_start3A_54] : memref<40000x16xf32, #tpu.memory_space<vmem_shared>> -> memref<500x16xf32, #tpu.memory_space<vmem_shared>>
      tpu.enqueue_dma source(%arg13 : memref<500x16xf32, #tpu.memory_space<vmem>>) target(%dma_start3A_55 : memref<500x16xf32, #tpu.memory_space<vmem_shared>>) target_semaphore(%run_scoped3A : memref<!tpu.dma_semaphore, #tpu.memory_space<semaphore_mem>>)
      %dma_wait3A = arith.constant 0 : i32
      %dma_wait3A_56 = tpu.memref_slice %arg7[%add3A_30, %dma_wait3A] : memref<40000x16xf32, #tpu.memory_space<vmem_shared>> -> memref<500x16xf32, #tpu.memory_space<vmem_shared>>
      %dma_wait3A_57 = arith.constant 0 : i32
      %dma_wait3A_58 = tpu.memref_slice %arg7[%add3A_30, %dma_wait3A_57] : memref<40000x16xf32, #tpu.memory_space<vmem_shared>> -> memref<500x16xf32, #tpu.memory_space<vmem_shared>>
      tpu.wait_dma2 semaphore(%run_scoped3A : memref<!tpu.dma_semaphore, #tpu.memory_space<semaphore_mem>>) src(%arg13 : memref<500x16xf32, #tpu.memory_space<vmem>>) dst(%dma_wait3A_58 : memref<500x16xf32, #tpu.memory_space<vmem_shared>>)
      tpu.yield
    }) : () -> ()
    %barrier3A = arith.constant 0 : index
    tpu.barrier barrier_id(%barrier3A)
    %mul3A_31 = arith.constant 16 : i32
    %mul3A_32 = arith.muli %arg0, %mul3A_31 : i32
    %add3A_33 = arith.addi %mul3A_32, %arg1 : i32
    %while3A_34 = arith.constant 0 : i32
    %while3A_35 = arith.constant 0 : i32
    %while3A_36 = arith.constant 5 : i32
    %while3A_37 = arith.subi %while3A_36, %while3A_35 : i32
    %while3A_38 = arith.addi %while3A_35, %while3A_37 : i32
    %while3A_39 = arith.constant 1 : i32
    %while3A_40 = arith.divsi %while3A_37, %while3A_39 : i32
    %while3A_41 = arith.muli %while3A_40, %while3A_39 : i32
    %while3A_42 = arith.addi %while3A_35, %while3A_41 : i32
    %while3A_43 = arith.constant 1 : i32
    scf.for %while3A_53 = %while3A_35 to %while3A_42 step %while3A_43  : i32 {
      %mul3A_54 = arith.constant 10000 : i32
      %mul3A_55 = arith.muli %add3A_33, %mul3A_54 : i32
      %mul3A_56 = arith.constant 2000 : i32
      %mul3A_57 = arith.muli %while3A_53, %mul3A_56 : i32
      %add3A_58 = arith.addi %mul3A_55, %mul3A_57 : i32
      "tpu.region"() ({
        %run_scoped3A = tpu.sem_alloc : memref<!tpu.dma_semaphore, #tpu.memory_space<semaphore_mem>>
        %dma_start3A_74 = tpu.memref_slice %arg2[%add3A_58] : memref<320000xi32, #tpu.memory_space<hbm>> -> memref<2000xi32, #tpu.memory_space<hbm>>
        %dma_start3A_75 = tpu.memref_slice %arg2[%add3A_58] : memref<320000xi32, #tpu.memory_space<hbm>> -> memref<2000xi32, #tpu.memory_space<hbm>>
        tpu.enqueue_dma source(%dma_start3A_75 : memref<2000xi32, #tpu.memory_space<hbm>>) target(%arg8 : memref<2000xi32, #tpu.memory_space<vmem>>) target_semaphore(%run_scoped3A : memref<!tpu.dma_semaphore, #tpu.memory_space<semaphore_mem>>)
        %dma_wait3A_76 = tpu.memref_slice %arg2[%add3A_58] : memref<320000xi32, #tpu.memory_space<hbm>> -> memref<2000xi32, #tpu.memory_space<hbm>>
        %dma_wait3A_77 = tpu.memref_slice %arg2[%add3A_58] : memref<320000xi32, #tpu.memory_space<hbm>> -> memref<2000xi32, #tpu.memory_space<hbm>>
        tpu.wait_dma2 semaphore(%run_scoped3A : memref<!tpu.dma_semaphore, #tpu.memory_space<semaphore_mem>>) src(%dma_wait3A_77 : memref<2000xi32, #tpu.memory_space<hbm>>) dst(%arg8 : memref<2000xi32, #tpu.memory_space<vmem>>)
        tpu.yield
      }) : () -> ()
      "tpu.region"() ({
        %run_scoped3A = tpu.sem_alloc : memref<!tpu.dma_semaphore, #tpu.memory_space<semaphore_mem>>
        %dma_start3A_74 = tpu.memref_slice %arg3[%add3A_58] : memref<320000xi32, #tpu.memory_space<hbm>> -> memref<2000xi32, #tpu.memory_space<hbm>>
        %dma_start3A_75 = tpu.memref_slice %arg3[%add3A_58] : memref<320000xi32, #tpu.memory_space<hbm>> -> memref<2000xi32, #tpu.memory_space<hbm>>
        tpu.enqueue_dma source(%dma_start3A_75 : memref<2000xi32, #tpu.memory_space<hbm>>) target(%arg9 : memref<2000xi32, #tpu.memory_space<vmem>>) target_semaphore(%run_scoped3A : memref<!tpu.dma_semaphore, #tpu.memory_space<semaphore_mem>>)
        %dma_wait3A_76 = tpu.memref_slice %arg3[%add3A_58] : memref<320000xi32, #tpu.memory_space<hbm>> -> memref<2000xi32, #tpu.memory_space<hbm>>
        %dma_wait3A_77 = tpu.memref_slice %arg3[%add3A_58] : memref<320000xi32, #tpu.memory_space<hbm>> -> memref<2000xi32, #tpu.memory_space<hbm>>
        tpu.wait_dma2 semaphore(%run_scoped3A : memref<!tpu.dma_semaphore, #tpu.memory_space<semaphore_mem>>) src(%dma_wait3A_77 : memref<2000xi32, #tpu.memory_space<hbm>>) dst(%arg9 : memref<2000xi32, #tpu.memory_space<vmem>>)
        tpu.yield
      }) : () -> ()
      %while3A_59 = arith.constant 0 : i32
      %while3A_60 = arith.constant 0 : i32
      %while3A_61 = arith.constant 125 : i32
      %while3A_62 = arith.subi %while3A_61, %while3A_60 : i32
      %while3A_63 = arith.addi %while3A_60, %while3A_62 : i32
      %while3A_64 = arith.constant 1 : i32
      %while3A_65 = arith.divsi %while3A_62, %while3A_64 : i32
      %while3A_66 = arith.muli %while3A_65, %while3A_64 : i32
      %while3A_67 = arith.addi %while3A_60, %while3A_66 : i32
      %while3A_68 = arith.constant 1 : i32
      scf.for %while3A_74 = %while3A_60 to %while3A_67 step %while3A_68  : i32 {
        %mul3A_75 = arith.constant 16 : i32
        %mul3A_76 = arith.muli %while3A_74, %mul3A_75 : i32
        %get3A = arith.index_cast %mul3A_76 : i32 to index
        %get3A_77 = tpu.vector_load %arg8[%get3A] {strides = array<i32>} : memref<2000xi32, #tpu.memory_space<vmem>>, vector<16xi32>,
        %get3A_78 = vector.shape_cast %get3A_77 : vector<16xi32> to vector<16xi32>
        %get3A_79 = arith.index_cast %mul3A_76 : i32 to index
        %get3A_80 = tpu.vector_load %arg9[%get3A_79] {strides = array<i32>} : memref<2000xi32, #tpu.memory_space<vmem>>, vector<16xi32>,
        %get3A_81 = vector.shape_cast %get3A_80 : vector<16xi32> to vector<16xi32>
        %mul3A_82 = arith.constant 10000 : i32
        %mul3A_83 = vector.broadcast %mul3A_82 : i32 to vector<16xi32>
        %mul3A_84 = arith.muli %get3A_81, %mul3A_83 : vector<16xi32>
        %add3A_85 = arith.addi %mul3A_84, %get3A_78 : vector<16xi32>
        %swap3A = arith.index_cast %mul3A_76 : i32 to index
        %swap3A_86 = tpu.vector_load %arg10[%swap3A] {strides = array<i32>} : memref<2000xi32, #tpu.memory_space<vmem>>, vector<16xi32>,
        %swap3A_87 = vector.shape_cast %swap3A_86 : vector<16xi32> to vector<16xi32>
        %swap3A_88 = vector.shape_cast %add3A_85 : vector<16xi32> to vector<16xi32>
        tpu.vector_store %arg10[%swap3A], %swap3A_88 {strides = array<i32>} : memref<2000xi32, #tpu.memory_space<vmem>>, vector<16xi32>,
        %mul3A_89 = arith.constant 4 : i32
        %mul3A_90 = vector.broadcast %mul3A_89 : i32 to vector<16xi32>
        %mul3A_91 = arith.muli %get3A_78, %mul3A_90 : vector<16xi32>
        %add3A_92 = arith.addi %mul3A_91, %get3A_81 : vector<16xi32>
        %swap3A_93 = arith.index_cast %mul3A_76 : i32 to index
        %swap3A_94 = tpu.vector_load %arg11[%swap3A_93] {strides = array<i32>} : memref<2000xi32, #tpu.memory_space<vmem>>, vector<16xi32>,
        %swap3A_95 = vector.shape_cast %swap3A_94 : vector<16xi32> to vector<16xi32>
        %swap3A_96 = vector.shape_cast %add3A_92 : vector<16xi32> to vector<16xi32>
        tpu.vector_store %arg11[%swap3A_93], %swap3A_96 {strides = array<i32>} : memref<2000xi32, #tpu.memory_space<vmem>>, vector<16xi32>,
      }
      %while3A_69 = arith.constant 1 : i32
      scf.for %while3A_74 = %while3A_67 to %while3A_63 step %while3A_69  : i32 {
        %mul3A_75 = arith.constant 16 : i32
        %mul3A_76 = arith.muli %while3A_74, %mul3A_75 : i32
        %get3A = arith.index_cast %mul3A_76 : i32 to index
        %get3A_77 = tpu.vector_load %arg8[%get3A] {strides = array<i32>} : memref<2000xi32, #tpu.memory_space<vmem>>, vector<16xi32>,
        %get3A_78 = vector.shape_cast %get3A_77 : vector<16xi32> to vector<16xi32>
        %get3A_79 = arith.index_cast %mul3A_76 : i32 to index
        %get3A_80 = tpu.vector_load %arg9[%get3A_79] {strides = array<i32>} : memref<2000xi32, #tpu.memory_space<vmem>>, vector<16xi32>,
        %get3A_81 = vector.shape_cast %get3A_80 : vector<16xi32> to vector<16xi32>
        %mul3A_82 = arith.constant 10000 : i32
        %mul3A_83 = vector.broadcast %mul3A_82 : i32 to vector<16xi32>
        %mul3A_84 = arith.muli %get3A_81, %mul3A_83 : vector<16xi32>
        %add3A_85 = arith.addi %mul3A_84, %get3A_78 : vector<16xi32>
        %swap3A = arith.index_cast %mul3A_76 : i32 to index
        %swap3A_86 = tpu.vector_load %arg10[%swap3A] {strides = array<i32>} : memref<2000xi32, #tpu.memory_space<vmem>>, vector<16xi32>,
        %swap3A_87 = vector.shape_cast %swap3A_86 : vector<16xi32> to vector<16xi32>
        %swap3A_88 = vector.shape_cast %add3A_85 : vector<16xi32> to vector<16xi32>
        tpu.vector_store %arg10[%swap3A], %swap3A_88 {strides = array<i32>} : memref<2000xi32, #tpu.memory_space<vmem>>, vector<16xi32>,
        %mul3A_89 = arith.constant 4 : i32
        %mul3A_90 = vector.broadcast %mul3A_89 : i32 to vector<16xi32>
        %mul3A_91 = arith.muli %get3A_78, %mul3A_90 : vector<16xi32>
        %add3A_92 = arith.addi %mul3A_91, %get3A_81 : vector<16xi32>
        %swap3A_93 = arith.index_cast %mul3A_76 : i32 to index
        %swap3A_94 = tpu.vector_load %arg11[%swap3A_93] {strides = array<i32>} : memref<2000xi32, #tpu.memory_space<vmem>>, vector<16xi32>,
        %swap3A_95 = vector.shape_cast %swap3A_94 : vector<16xi32> to vector<16xi32>
        %swap3A_96 = vector.shape_cast %add3A_92 : vector<16xi32> to vector<16xi32>
        tpu.vector_store %arg11[%swap3A_93], %swap3A_96 {strides = array<i32>} : memref<2000xi32, #tpu.memory_space<vmem>>, vector<16xi32>,
      }
      "tpu.region"() ({
        %run_scoped3A = tpu.sem_alloc : memref<!tpu.dma_semaphore, #tpu.memory_space<semaphore_mem>>
        %dma_start3A_74 = tpu.memref_slice %arg4[%add3A_58] : memref<320000xi32, #tpu.memory_space<hbm>> -> memref<2000xi32, #tpu.memory_space<hbm>>
        %dma_start3A_75 = tpu.memref_slice %arg4[%add3A_58] : memref<320000xi32, #tpu.memory_space<hbm>> -> memref<2000xi32, #tpu.memory_space<hbm>>
        tpu.enqueue_dma source(%arg10 : memref<2000xi32, #tpu.memory_space<vmem>>) target(%dma_start3A_75 : memref<2000xi32, #tpu.memory_space<hbm>>) target_semaphore(%run_scoped3A : memref<!tpu.dma_semaphore, #tpu.memory_space<semaphore_mem>>)
        %dma_wait3A_76 = tpu.memref_slice %arg4[%add3A_58] : memref<320000xi32, #tpu.memory_space<hbm>> -> memref<2000xi32, #tpu.memory_space<hbm>>
        %dma_wait3A_77 = tpu.memref_slice %arg4[%add3A_58] : memref<320000xi32, #tpu.memory_space<hbm>> -> memref<2000xi32, #tpu.memory_space<hbm>>
        tpu.wait_dma2 semaphore(%run_scoped3A : memref<!tpu.dma_semaphore, #tpu.memory_space<semaphore_mem>>) src(%arg10 : memref<2000xi32, #tpu.memory_space<vmem>>) dst(%dma_wait3A_77 : memref<2000xi32, #tpu.memory_space<hbm>>)
        tpu.yield
      }) : () -> ()
      %dma_start3A = arith.constant 0 : i32
      %dma_start3A_70 = arith.constant 0 : i32
      %dma_start3A_71 = tpu.memref_slice %arg7[%dma_start3A, %dma_start3A_70] : memref<40000x16xf32, #tpu.memory_space<vmem_shared>> -> memref<40000x16xf32, #tpu.memory_space<vmem_shared>>
      tpu.enqueue_indirect_dma source(%arg12 : memref<2000x16xf32, #tpu.memory_space<vmem>>) target(%dma_start3A_71 : memref<40000x16xf32, #tpu.memory_space<vmem_shared>>) offsets(%arg11 : memref<2000xi32, #tpu.memory_space<vmem>>) semaphore(%arg14 : memref<!tpu.dma_semaphore, #tpu.memory_space<semaphore_mem>>) {add = true}
      %dma_wait3A = arith.constant 0 : i32
      %dma_wait3A_72 = arith.constant 0 : i32
      %dma_wait3A_73 = tpu.memref_slice %arg7[%dma_wait3A, %dma_wait3A_72] : memref<40000x16xf32, #tpu.memory_space<vmem_shared>> -> memref<40000x16xf32, #tpu.memory_space<vmem_shared>>
      tpu.wait_indirect_dma semaphore(%arg14 : memref<!tpu.dma_semaphore, #tpu.memory_space<semaphore_mem>>) src(%arg12 : memref<2000x16xf32, #tpu.memory_space<vmem>>) dst(%dma_wait3A_73 : memref<40000x16xf32, #tpu.memory_space<vmem_shared>>)
    }
    %while3A_44 = arith.constant 1 : i32
    scf.for %while3A_53 = %while3A_42 to %while3A_38 step %while3A_44  : i32 {
      %mul3A_54 = arith.constant 10000 : i32
      %mul3A_55 = arith.muli %add3A_33, %mul3A_54 : i32
      %mul3A_56 = arith.constant 2000 : i32
      %mul3A_57 = arith.muli %while3A_53, %mul3A_56 : i32
      %add3A_58 = arith.addi %mul3A_55, %mul3A_57 : i32
      "tpu.region"() ({
        %run_scoped3A = tpu.sem_alloc : memref<!tpu.dma_semaphore, #tpu.memory_space<semaphore_mem>>
        %dma_start3A_74 = tpu.memref_slice %arg2[%add3A_58] : memref<320000xi32, #tpu.memory_space<hbm>> -> memref<2000xi32, #tpu.memory_space<hbm>>
        %dma_start3A_75 = tpu.memref_slice %arg2[%add3A_58] : memref<320000xi32, #tpu.memory_space<hbm>> -> memref<2000xi32, #tpu.memory_space<hbm>>
        tpu.enqueue_dma source(%dma_start3A_75 : memref<2000xi32, #tpu.memory_space<hbm>>) target(%arg8 : memref<2000xi32, #tpu.memory_space<vmem>>) target_semaphore(%run_scoped3A : memref<!tpu.dma_semaphore, #tpu.memory_space<semaphore_mem>>)
        %dma_wait3A_76 = tpu.memref_slice %arg2[%add3A_58] : memref<320000xi32, #tpu.memory_space<hbm>> -> memref<2000xi32, #tpu.memory_space<hbm>>
        %dma_wait3A_77 = tpu.memref_slice %arg2[%add3A_58] : memref<320000xi32, #tpu.memory_space<hbm>> -> memref<2000xi32, #tpu.memory_space<hbm>>
        tpu.wait_dma2 semaphore(%run_scoped3A : memref<!tpu.dma_semaphore, #tpu.memory_space<semaphore_mem>>) src(%dma_wait3A_77 : memref<2000xi32, #tpu.memory_space<hbm>>) dst(%arg8 : memref<2000xi32, #tpu.memory_space<vmem>>)
        tpu.yield
      }) : () -> ()
      "tpu.region"() ({
        %run_scoped3A = tpu.sem_alloc : memref<!tpu.dma_semaphore, #tpu.memory_space<semaphore_mem>>
        %dma_start3A_74 = tpu.memref_slice %arg3[%add3A_58] : memref<320000xi32, #tpu.memory_space<hbm>> -> memref<2000xi32, #tpu.memory_space<hbm>>
        %dma_start3A_75 = tpu.memref_slice %arg3[%add3A_58] : memref<320000xi32, #tpu.memory_space<hbm>> -> memref<2000xi32, #tpu.memory_space<hbm>>
        tpu.enqueue_dma source(%dma_start3A_75 : memref<2000xi32, #tpu.memory_space<hbm>>) target(%arg9 : memref<2000xi32, #tpu.memory_space<vmem>>) target_semaphore(%run_scoped3A : memref<!tpu.dma_semaphore, #tpu.memory_space<semaphore_mem>>)
        %dma_wait3A_76 = tpu.memref_slice %arg3[%add3A_58] : memref<320000xi32, #tpu.memory_space<hbm>> -> memref<2000xi32, #tpu.memory_space<hbm>>
        %dma_wait3A_77 = tpu.memref_slice %arg3[%add3A_58] : memref<320000xi32, #tpu.memory_space<hbm>> -> memref<2000xi32, #tpu.memory_space<hbm>>
        tpu.wait_dma2 semaphore(%run_scoped3A : memref<!tpu.dma_semaphore, #tpu.memory_space<semaphore_mem>>) src(%dma_wait3A_77 : memref<2000xi32, #tpu.memory_space<hbm>>) dst(%arg9 : memref<2000xi32, #tpu.memory_space<vmem>>)
        tpu.yield
      }) : () -> ()
      %while3A_59 = arith.constant 0 : i32
      %while3A_60 = arith.constant 0 : i32
      %while3A_61 = arith.constant 125 : i32
      %while3A_62 = arith.subi %while3A_61, %while3A_60 : i32
      %while3A_63 = arith.addi %while3A_60, %while3A_62 : i32
      %while3A_64 = arith.constant 1 : i32
      %while3A_65 = arith.divsi %while3A_62, %while3A_64 : i32
      %while3A_66 = arith.muli %while3A_65, %while3A_64 : i32
      %while3A_67 = arith.addi %while3A_60, %while3A_66 : i32
      %while3A_68 = arith.constant 1 : i32
      scf.for %while3A_74 = %while3A_60 to %while3A_67 step %while3A_68  : i32 {
        %mul3A_75 = arith.constant 16 : i32
        %mul3A_76 = arith.muli %while3A_74, %mul3A_75 : i32
        %get3A = arith.index_cast %mul3A_76 : i32 to index
        %get3A_77 = tpu.vector_load %arg8[%get3A] {strides = array<i32>} : memref<2000xi32, #tpu.memory_space<vmem>>, vector<16xi32>,
        %get3A_78 = vector.shape_cast %get3A_77 : vector<16xi32> to vector<16xi32>
        %get3A_79 = arith.index_cast %mul3A_76 : i32 to index
        %get3A_80 = tpu.vector_load %arg9[%get3A_79] {strides = array<i32>} : memref<2000xi32, #tpu.memory_space<vmem>>, vector<16xi32>,
        %get3A_81 = vector.shape_cast %get3A_80 : vector<16xi32> to vector<16xi32>
        %mul3A_82 = arith.constant 10000 : i32
        %mul3A_83 = vector.broadcast %mul3A_82 : i32 to vector<16xi32>
        %mul3A_84 = arith.muli %get3A_81, %mul3A_83 : vector<16xi32>
        %add3A_85 = arith.addi %mul3A_84, %get3A_78 : vector<16xi32>
        %swap3A = arith.index_cast %mul3A_76 : i32 to index
        %swap3A_86 = tpu.vector_load %arg10[%swap3A] {strides = array<i32>} : memref<2000xi32, #tpu.memory_space<vmem>>, vector<16xi32>,
        %swap3A_87 = vector.shape_cast %swap3A_86 : vector<16xi32> to vector<16xi32>
        %swap3A_88 = vector.shape_cast %add3A_85 : vector<16xi32> to vector<16xi32>
        tpu.vector_store %arg10[%swap3A], %swap3A_88 {strides = array<i32>} : memref<2000xi32, #tpu.memory_space<vmem>>, vector<16xi32>,
        %mul3A_89 = arith.constant 4 : i32
        %mul3A_90 = vector.broadcast %mul3A_89 : i32 to vector<16xi32>
        %mul3A_91 = arith.muli %get3A_78, %mul3A_90 : vector<16xi32>
        %add3A_92 = arith.addi %mul3A_91, %get3A_81 : vector<16xi32>
        %swap3A_93 = arith.index_cast %mul3A_76 : i32 to index
        %swap3A_94 = tpu.vector_load %arg11[%swap3A_93] {strides = array<i32>} : memref<2000xi32, #tpu.memory_space<vmem>>, vector<16xi32>,
        %swap3A_95 = vector.shape_cast %swap3A_94 : vector<16xi32> to vector<16xi32>
        %swap3A_96 = vector.shape_cast %add3A_92 : vector<16xi32> to vector<16xi32>
        tpu.vector_store %arg11[%swap3A_93], %swap3A_96 {strides = array<i32>} : memref<2000xi32, #tpu.memory_space<vmem>>, vector<16xi32>,
      }
      %while3A_69 = arith.constant 1 : i32
      scf.for %while3A_74 = %while3A_67 to %while3A_63 step %while3A_69  : i32 {
        %mul3A_75 = arith.constant 16 : i32
        %mul3A_76 = arith.muli %while3A_74, %mul3A_75 : i32
        %get3A = arith.index_cast %mul3A_76 : i32 to index
        %get3A_77 = tpu.vector_load %arg8[%get3A] {strides = array<i32>} : memref<2000xi32, #tpu.memory_space<vmem>>, vector<16xi32>,
        %get3A_78 = vector.shape_cast %get3A_77 : vector<16xi32> to vector<16xi32>
        %get3A_79 = arith.index_cast %mul3A_76 : i32 to index
        %get3A_80 = tpu.vector_load %arg9[%get3A_79] {strides = array<i32>} : memref<2000xi32, #tpu.memory_space<vmem>>, vector<16xi32>,
        %get3A_81 = vector.shape_cast %get3A_80 : vector<16xi32> to vector<16xi32>
        %mul3A_82 = arith.constant 10000 : i32
        %mul3A_83 = vector.broadcast %mul3A_82 : i32 to vector<16xi32>
        %mul3A_84 = arith.muli %get3A_81, %mul3A_83 : vector<16xi32>
        %add3A_85 = arith.addi %mul3A_84, %get3A_78 : vector<16xi32>
        %swap3A = arith.index_cast %mul3A_76 : i32 to index
        %swap3A_86 = tpu.vector_load %arg10[%swap3A] {strides = array<i32>} : memref<2000xi32, #tpu.memory_space<vmem>>, vector<16xi32>,
        %swap3A_87 = vector.shape_cast %swap3A_86 : vector<16xi32> to vector<16xi32>
        %swap3A_88 = vector.shape_cast %add3A_85 : vector<16xi32> to vector<16xi32>
        tpu.vector_store %arg10[%swap3A], %swap3A_88 {strides = array<i32>} : memref<2000xi32, #tpu.memory_space<vmem>>, vector<16xi32>,
        %mul3A_89 = arith.constant 4 : i32
        %mul3A_90 = vector.broadcast %mul3A_89 : i32 to vector<16xi32>
        %mul3A_91 = arith.muli %get3A_78, %mul3A_90 : vector<16xi32>
        %add3A_92 = arith.addi %mul3A_91, %get3A_81 : vector<16xi32>
        %swap3A_93 = arith.index_cast %mul3A_76 : i32 to index
        %swap3A_94 = tpu.vector_load %arg11[%swap3A_93] {strides = array<i32>} : memref<2000xi32, #tpu.memory_space<vmem>>, vector<16xi32>,
        %swap3A_95 = vector.shape_cast %swap3A_94 : vector<16xi32> to vector<16xi32>
        %swap3A_96 = vector.shape_cast %add3A_92 : vector<16xi32> to vector<16xi32>
        tpu.vector_store %arg11[%swap3A_93], %swap3A_96 {strides = array<i32>} : memref<2000xi32, #tpu.memory_space<vmem>>, vector<16xi32>,
      }
      "tpu.region"() ({
        %run_scoped3A = tpu.sem_alloc : memref<!tpu.dma_semaphore, #tpu.memory_space<semaphore_mem>>
        %dma_start3A_74 = tpu.memref_slice %arg4[%add3A_58] : memref<320000xi32, #tpu.memory_space<hbm>> -> memref<2000xi32, #tpu.memory_space<hbm>>
        %dma_start3A_75 = tpu.memref_slice %arg4[%add3A_58] : memref<320000xi32, #tpu.memory_space<hbm>> -> memref<2000xi32, #tpu.memory_space<hbm>>
        tpu.enqueue_dma source(%arg10 : memref<2000xi32, #tpu.memory_space<vmem>>) target(%dma_start3A_75 : memref<2000xi32, #tpu.memory_space<hbm>>) target_semaphore(%run_scoped3A : memref<!tpu.dma_semaphore, #tpu.memory_space<semaphore_mem>>)
        %dma_wait3A_76 = tpu.memref_slice %arg4[%add3A_58] : memref<320000xi32, #tpu.memory_space<hbm>> -> memref<2000xi32, #tpu.memory_space<hbm>>
        %dma_wait3A_77 = tpu.memref_slice %arg4[%add3A_58] : memref<320000xi32, #tpu.memory_space<hbm>> -> memref<2000xi32, #tpu.memory_space<hbm>>
        tpu.wait_dma2 semaphore(%run_scoped3A : memref<!tpu.dma_semaphore, #tpu.memory_space<semaphore_mem>>) src(%arg10 : memref<2000xi32, #tpu.memory_space<vmem>>) dst(%dma_wait3A_77 : memref<2000xi32, #tpu.memory_space<hbm>>)
        tpu.yield
      }) : () -> ()
      %dma_start3A = arith.constant 0 : i32
      %dma_start3A_70 = arith.constant 0 : i32
      %dma_start3A_71 = tpu.memref_slice %arg7[%dma_start3A, %dma_start3A_70] : memref<40000x16xf32, #tpu.memory_space<vmem_shared>> -> memref<40000x16xf32, #tpu.memory_space<vmem_shared>>
      tpu.enqueue_indirect_dma source(%arg12 : memref<2000x16xf32, #tpu.memory_space<vmem>>) target(%dma_start3A_71 : memref<40000x16xf32, #tpu.memory_space<vmem_shared>>) offsets(%arg11 : memref<2000xi32, #tpu.memory_space<vmem>>) semaphore(%arg14 : memref<!tpu.dma_semaphore, #tpu.memory_space<semaphore_mem>>) {add = true}
      %dma_wait3A = arith.constant 0 : i32
      %dma_wait3A_72 = arith.constant 0 : i32
      %dma_wait3A_73 = tpu.memref_slice %arg7[%dma_wait3A, %dma_wait3A_72] : memref<40000x16xf32, #tpu.memory_space<vmem_shared>> -> memref<40000x16xf32, #tpu.memory_space<vmem_shared>>
      tpu.wait_indirect_dma semaphore(%arg14 : memref<!tpu.dma_semaphore, #tpu.memory_space<semaphore_mem>>) src(%arg12 : memref<2000x16xf32, #tpu.memory_space<vmem>>) dst(%dma_wait3A_73 : memref<40000x16xf32, #tpu.memory_space<vmem_shared>>)
    }
    %barrier3A_45 = arith.constant 0 : index
    tpu.barrier barrier_id(%barrier3A_45)
    %eq3A = arith.constant 0 : i32
    %eq3A_46 = arith.cmpi eq, %arg0, %eq3A : i32
    %convert_element_type3A = arith.extui %eq3A_46 : i1 to i32
    %cond3A = arith.constant 0 : i32
    %cond3A_47 = arith.cmpi ne, %convert_element_type3A, %cond3A : i32
    scf.if %cond3A_47 {
      "tpu.region"() ({
        %run_scoped3A = tpu.sem_alloc : memref<!tpu.dma_semaphore, #tpu.memory_space<semaphore_mem>>
        %dma_start3A = arith.constant 0 : i32
        %dma_start3A_53 = tpu.memref_slice %arg5[%mul3A_21, %dma_start3A] : memref<40000x16xf32, #tpu.memory_space<hbm>> -> memref<2500x16xf32, #tpu.memory_space<hbm>>
        %dma_start3A_54 = arith.constant 0 : i32
        %dma_start3A_55 = tpu.memref_slice %arg7[%mul3A_21, %dma_start3A_54] : memref<40000x16xf32, #tpu.memory_space<vmem_shared>> -> memref<2500x16xf32, #tpu.memory_space<vmem_shared>>
        tpu.enqueue_dma source(%dma_start3A_55 : memref<2500x16xf32, #tpu.memory_space<vmem_shared>>) target(%dma_start3A_53 : memref<2500x16xf32, #tpu.memory_space<hbm>>) target_semaphore(%run_scoped3A : memref<!tpu.dma_semaphore, #tpu.memory_space<semaphore_mem>>)
        %dma_wait3A = arith.constant 0 : i32
        %dma_wait3A_56 = tpu.memref_slice %arg5[%mul3A_21, %dma_wait3A] : memref<40000x16xf32, #tpu.memory_space<hbm>> -> memref<2500x16xf32, #tpu.memory_space<hbm>>
        %dma_wait3A_57 = arith.constant 0 : i32
        %dma_wait3A_58 = tpu.memref_slice %arg7[%mul3A_21, %dma_wait3A_57] : memref<40000x16xf32, #tpu.memory_space<vmem_shared>> -> memref<2500x16xf32, #tpu.memory_space<vmem_shared>>
        tpu.wait_dma2 semaphore(%run_scoped3A : memref<!tpu.dma_semaphore, #tpu.memory_space<semaphore_mem>>) src(%dma_wait3A_58 : memref<2500x16xf32, #tpu.memory_space<vmem_shared>>) dst(%dma_wait3A_56 : memref<2500x16xf32, #tpu.memory_space<hbm>>)
        tpu.yield
      }) : () -> ()
    } else {
    }
    %eq3A_48 = arith.constant 1 : i32
    %eq3A_49 = arith.cmpi eq, %arg0, %eq3A_48 : i32
    %convert_element_type3A_50 = arith.extui %eq3A_49 : i1 to i32
    %cond3A_51 = arith.constant 0 : i32
    %cond3A_52 = arith.cmpi ne, %convert_element_type3A_50, %cond3A_51 : i32
    scf.if %cond3A_52 {
      "tpu.region"() ({
        %run_scoped3A = tpu.sem_alloc : memref<!tpu.dma_semaphore, #tpu.memory_space<semaphore_mem>>
        %dma_start3A = arith.constant 0 : i32
        %dma_start3A_53 = tpu.memref_slice %arg6[%mul3A_21, %dma_start3A] : memref<40000x16xf32, #tpu.memory_space<hbm>> -> memref<2500x16xf32, #tpu.memory_space<hbm>>
        %dma_start3A_54 = arith.constant 0 : i32
        %dma_start3A_55 = tpu.memref_slice %arg7[%mul3A_21, %dma_start3A_54] : memref<40000x16xf32, #tpu.memory_space<vmem_shared>> -> memref<2500x16xf32, #tpu.memory_space<vmem_shared>>
        tpu.enqueue_dma source(%dma_start3A_55 : memref<2500x16xf32, #tpu.memory_space<vmem_shared>>) target(%dma_start3A_53 : memref<2500x16xf32, #tpu.memory_space<hbm>>) target_semaphore(%run_scoped3A : memref<!tpu.dma_semaphore, #tpu.memory_space<semaphore_mem>>)
        %dma_wait3A = arith.constant 0 : i32
        %dma_wait3A_56 = tpu.memref_slice %arg6[%mul3A_21, %dma_wait3A] : memref<40000x16xf32, #tpu.memory_space<hbm>> -> memref<2500x16xf32, #tpu.memory_space<hbm>>
        %dma_wait3A_57 = arith.constant 0 : i32
        %dma_wait3A_58 = tpu.memref_slice %arg7[%mul3A_21, %dma_wait3A_57] : memref<40000x16xf32, #tpu.memory_space<vmem_shared>> -> memref<2500x16xf32, #tpu.memory_space<vmem_shared>>
        tpu.wait_dma2 semaphore(%run_scoped3A : memref<!tpu.dma_semaphore, #tpu.memory_space<semaphore_mem>>) src(%dma_wait3A_58 : memref<2500x16xf32, #tpu.memory_space<vmem_shared>>) dst(%dma_wait3A_56 : memref<2500x16xf32, #tpu.memory_space<hbm>>)
        tpu.yield
      }) : () -> ()
    } else {
    }
    return
  }
}

</mosaic_0001>

<sc_bundles>
// kernel: _count_kernel.3.cloned.1.call-start
scs
__scs_entry_jumppad:
0x0: {  	(pc) =	sbr.rel $0x88, $3  }
0x1: {  	(tag) =	ssettag $0x0;
	lr =	simm.s32 $0x1  }
0x2: {  	[smem:$0x3F9F] =	sst lr;
	_ =	strace $0xD0000000  }
0x3: {  	_ = 	snop  }
0x4: {  	_ = 	snop  }
0x5: {  	_ = 	snop  }
0x6: {  	_ = 	snop  }
0x7: {  	_ = 	snop  }
__scs_overlays_trampoline_lowered:
0x8: {  	[smem:$0x3FAE] =	sst s0  }
0x9: {  	[smem:$0x3FAF] =	sst s1  }
0xa: {  	[smem:$0x3FB0] =	sst s2  }
0xb: {  	[smem:$0x3FB1] =	sst s3  }
0xc: {  	[smem:$0x3FB2] =	sst s4  }
0xd: {  	[smem:$0x3FB3] =	sst s5  }
0xe: {  	[smem:$0x3FB4] =	sst s6  }
0xf: {  	[smem:$0x3FB5] =	sst s7  }
0x10: {  	[smem:$0x3FB6] =	sst s8  }
0x11: {  	[smem:$0x3FB7] =	sst s9;
	s0 =	simm.s32 @!p0 $0x0  }
0x12: {  	s1 =	sld [smem:$0x3F9D];
	s0 =	simm.s32 @p0 $0x1  }
0x13: {  	[smem:$0x3FB8] =	sst s0;
	s0 =	simm.s32 @!p1 $0x0  }
0x14: {  	s2 =	sld [smem:$0x3F9C];
	s0 =	simm.s32 @p1 $0x1  }
0x15: {  	[smem:$0x3FB9] =	sst s0;
	s0 =	simm.s32 @!p2 $0x0  }
0x16: {  	s3 =	sld [smem:$0x3FDB];
	s0 =	simm.s32 @p2 $0x1  }
0x17: {  	s4 =	simm.s32 $0x1BF5;
	[smem:$0x3FBB] =	sst s0  }
0x18: {  	s0 =	sld [smem:$0x3F9E];
	_ =	swait.ge [sflag:s4], $0x0  }
0x19: {  	s7 =	sld [smem:$0x3F9F]  }
0x1a: {  	s8 =	sadd.s32 $0xFFFFE003, lr  }
0x1b: {  	s9 =	sadd.s32 $0xFFFFFEF7, lr;
	s5 =	simm.s32 $0xFFFFFFFF;
	p2 =	slt.u32 s8, $0xFFFFF086  }
0x1c: {  	p1 =	slt.u32 s9, $0xF7A;
	s5 =	simm.s32 @!p2 $0x0  }
0x1d: {  	s5 =	simm.s32 @p1 $0x1;
	p0 =	seq.s32 s7, s2  }
0x1e: {  	s7 =	smul.u32 @!p0 $0xF7A, s2;
	p2 =	seq.s32 @!p0 s5, $0x0  }
0x1f: {  	s9 =	smul.u32 $0xF7A, s1;
	s8 =	simm.s32 @!p0 $0x1BF5;
	p2 =	por !p2, p0  }
0x20: {  	[sflag:s8] =	ssyncset.s32 @!p0 $0xFFFFF086;
	s6 =	sadd.s32 @!p0 s3, s7;
	s7 =	simm.s32 @!p0 $0x108  }
0x21: {  	s3 =	sadd.s32 s3, s9;
	s6 =	sadd.s32 @!p0 $0x88, s6;
	s7 =	simm.s32 @p2 $0x1082  }
0x22: {  	[simem:s7], [sflag:s8] =	dma.local @!p0 [hbm:s6], $0xF7A  }
0x23: {  	s9 =	sor.u32 $0xD0000000, s2;
	s6 =	simm.s32 $0x108;
	_ =	swait.ge @!p0 [sflag:s8], $0x0  }
0x24: {  	s3 =	sadd.s32 $0x88, s3;
	s6 =	simm.s32 @!p1 $0x1082;
	[sflag:s4] =	ssyncset.s32 $0xFFFFF086  }
0x25: {  	[simem:s6], [sflag:s4] =	dma.local [hbm:s3], $0xF7A  }
0x26: {  	[smem:$0x3F9F] =	sst s1;
	(tag) =	ssettag s2;
	_ =	strace s9  }
0x27: {  	s1 =	sld [smem:$0x3FAF]  }
0x28: {  	s2 =	sld [smem:$0x3FB0]  }
0x29: {  	s4 =	sld [smem:$0x3FB2]  }
0x2a: {  	p0 =	seq.s32 s5, $0x0;
	s5 =	sld [smem:$0x3FB3]  }
0x2b: {  	s6 =	sld [smem:$0x3FB4]  }
0x2c: {  	s7 =	sld [smem:$0x3FB5]  }
0x2d: {  	s3 =	simm.s32 $0x108;
	s8 =	sld [smem:$0x3FB6]  }
0x2e: {  	s3 =	simm.s32 @!p0 $0x1082;
	s9 =	sld [smem:$0x3FB7]  }
0x2f: {  	lr =	sadd.s32 s0, s3;
	s0 =	sld [smem:$0x3FAE]  }
0x30: {  	s3 =	sld [smem:$0x3FB1]  }
0x31: {  	[smem:$0x3FBA] =	sst s10  }
0x32: {  	s10 =	sld [smem:$0x3FB8];
	_ =	sdelay $0x3  }
0x33: {  	p0 =	seq.s32 s10, $0x1;
	s10 =	sld [smem:$0x3FBA];
	_ =	sdelay $0x3  }
0x34: {  	[smem:$0x3FBA] =	sst s10  }
0x35: {  	s10 =	sld [smem:$0x3FB9];
	_ =	sdelay $0x3  }
0x36: {  	p1 =	seq.s32 s10, $0x1;
	s10 =	sld [smem:$0x3FBA];
	_ =	sdelay $0x3  }
0x37: {  	[smem:$0x3FBA] =	sst s10  }
0x38: {  	s10 =	sld [smem:$0x3FBB]  }
0x39: {  	_ = 	snop;
	(pc) =	sbr.ind lr, $3  }
0x3a: {  	_ = 	snop  }
0x3b: {  	_ = 	snop  }
0x3c: {  	p2 =	seq.s32 s10, $0x1;
	s10 =	sld [smem:$0x3FBA]  }
0x3d: {  	_ =	shalt  }
0x3e: {  	_ =	shalt  }
0x3f: {  	_ =	shalt  }
0x40: {  	_ =	shalt  }
0x41: {  	_ =	shalt  }
0x42: {  	_ =	shalt  }
0x43: {  	_ =	shalt  }
0x44: {  	_ =	shalt  }
0x45: {  	_ =	shalt  }
0x46: {  	_ =	shalt  }
0x47: {  	_ =	shalt  }
0x48: {  	_ =	shalt  }
0x49: {  	_ =	shalt  }
0x4a: {  	_ =	shalt  }
0x4b: {  	_ =	shalt  }
0x4c: {  	_ =	shalt  }
0x4d: {  	_ =	shalt  }
0x4e: {  	_ =	shalt  }
0x4f: {  	_ =	shalt  }
0x50: {  	_ =	shalt  }
0x51: {  	_ =	shalt  }
0x52: {  	_ =	shalt  }
0x53: {  	_ =	shalt  }
0x54: {  	_ =	shalt  }
0x55: {  	_ =	shalt  }
0x56: {  	_ =	shalt  }
0x57: {  	_ =	shalt  }
0x58: {  	_ =	shalt  }
0x59: {  	_ =	shalt  }
0x5a: {  	_ =	shalt  }
0x5b: {  	_ =	shalt  }
0x5c: {  	_ =	shalt  }
0x5d: {  	_ =	shalt  }
0x5e: {  	_ =	shalt  }
0x5f: {  	_ =	shalt  }
0x60: {  	_ =	shalt  }
0x61: {  	_ =	shalt  }
0x62: {  	_ =	shalt  }
0x63: {  	_ =	shalt  }
0x64: {  	_ =	shalt  }
0x65: {  	_ =	shalt  }
0x66: {  	_ =	shalt  }
0x67: {  	_ =	shalt  }
0x68: {  	_ =	shalt  }
0x69: {  	_ =	shalt  }
0x6a: {  	_ =	shalt  }
0x6b: {  	_ =	shalt  }
0x6c: {  	_ =	shalt  }
0x6d: {  	_ =	shalt  }
0x6e: {  	_ =	shalt  }
0x6f: {  	_ =	shalt  }
0x70: {  	_ =	shalt  }
0x71: {  	_ =	shalt  }
0x72: {  	_ =	shalt  }
0x73: {  	_ =	shalt  }
0x74: {  	_ =	shalt  }
0x75: {  	_ =	shalt  }
0x76: {  	_ =	shalt  }
0x77: {  	_ =	shalt  }
0x78: {  	_ =	shalt  }
0x79: {  	_ =	shalt  }
0x7a: {  	_ =	shalt  }
0x7b: {  	_ =	shalt  }
0x7c: {  	_ =	shalt  }
0x7d: {  	_ =	shalt  }
0x7e: {  	_ =	shalt  }
0x7f: {  	_ =	shalt  }
0x80: {  	_ =	shalt  }
0x81: {  	_ =	shalt  }
0x82: {  	_ =	shalt  }
0x83: {  	_ =	shalt  }
0x84: {  	_ =	shalt  }
0x85: {  	_ =	shalt  }
0x86: {  	_ =	shalt  }
0x87: {  	_ =	shalt  }
.Lfunc_end0:
.L_simem_size_0:
called_computation_lowered:
.L_overlay_start_0:
0x88: {  	s2 =	sld [smem:$0x3FD9]  }
0x89: {  	s3 =	sld [smem:$0x3FFE];
	_ =	sdelay $0x1  }
0x8a: {  	s1 =	srdreg.scid  }
0x8b: {  	s0 =	sand.u32 $0x1, s1  }
0x8c: {  	s14 =	sshll.u32 s0, $0xA;
	s2 =	sadd.s32 s3, s2  }
0x8d: {  	s2 =	sadd.s32 s2, s14  }
0x8e: {  	[smem:$0x3FC6] =	sst s2  }
0x8f: {  	_ = 	snop  }
0x90: {  	s2 =	sld [smem:$0x3FD0];
	_ =	sdelay $0x1  }
0x91: {  	s15 =	sld [smem:$0x3FC9]  }
0x92: {  	s5 =	simm.s32 $0xA;
	s6 =	simm.s32 $0x10;
	s4 =	sld [smem:$0x3FC8]  }
0x93: {  	[smem:s6], [sflag:s5] =	dma.local [hbm:s2], $0x1  }
0x94: {  	_ =	swait.eq [sflag:s5], $0x1  }
0x95: {  	[sflag:s5] =	ssyncset.done $0x0  }
0x96: {  	s16 =	sld [smem:$0x10];
	[sflag:s5] =	ssyncadd.s32 $0xFFFFFFFF  }
0x97: {  	s17 =	sld [smem:$0x12];
	(tm) =	ssettm $0x1  }
0x98: {  	s18 =	sld [smem:$0x3FFB];
	_ =	sdelay $0x3  }
0x99: {  	_ =	strace s18  }
0x9a: {  	s6 =	sld [smem:$0x3FFC];
	_ =	sdelay $0x3  }
0x9b: {  	_ =	strace s6  }
0x9c: {  	s6 =	sld [smem:$0x3FFD];
	_ =	sdelay $0x3  }
0x9d: {  	_ =	strace s6  }
0x9e: {  	_ =	strace $0x8FFFFFFF  }
0x9f: {  	s19 =	sld [smem:$0x3FDB];
	_ =	sdelay $0x1  }
0xa0: {  	s7 =	simm.s32 $_scs_section_size  }
0xa1: {  	s8 =	simm.s32 $_size__tile_overlayer_lowered;
	s9 =	simm.s32 $_tile_overlayer_lowered  }
0xa2: {  	s22 =	simm.s32 $0x1BFF;
	s21 =	sshll.u32 s9, $0x1;
	s6 =	sadd.s32 s7, s19  }
0xa3: {  	s10 =	simm.s32 $0x0;
	s20 =	sshll.u32 s8, $0x1;
	s8 =	sadd.s32 s21, s6  }
0xa4: {  	[timem:s10], [sflag:s22] =	dma.local [hbm:s8], s20  }
0xa5: {  	_ =	swait.ge [sflag:s22], s20  }
0xa6: {  	s7 =	ssub.s32 $0x0, s20;
	[sflag:s22] =	ssyncset.done $0x0  }
0xa7: {  	[sflag:s22] =	ssyncadd.s32 s7;
	_ =	sdelay $0x1  }
0xa8: {  	s23 =	simm.s32 $0x1B8B  }
0xa9: {  	_ =	swait.ge [sflag:s23], $0x1  }
0xaa: {  	[sflag:s23] =	ssyncset.done $0x0  }
0xab: {  	s25 =	simm.s32 $0x1B8E;
	s24 =	sld [smem:$0x3FFE];
	[sflag:s23] =	ssyncadd.s32 $0xFFFFFFFF  }
0xac: {  	s26 =	simm.s32 $execute0_lowered;
	[smem:$0x3FD2] =	sst s25  }
0xad: {  	s8 =	sshll.u32 s26, $0x1;
	_ =	strace $0x80000046;
	[dreg:$0x1] =	wrdreg $0xFFFFFFFF  }
0xae: {  	s28 =	simm.s32 $_size_execute0_lowered;
	s6 =	sadd.s32 s6, s8;
	[dreg:$0x0] =	wrdreg $0x0  }
0xaf: {  	s8 =	sshll.u32 s28, $0x1;
	[dreg:$0x2] =	wrdreg s6  }
0xb0: {  	[dreg:$0x3] =	wrdreg s8  }
0xb1: {  	[dreg:$0x4] =	wrdreg $0xC0  }
0xb2: {  	_ =	task [dreg:s10], $0x5FFFF  }
0xb3: {  	[dreg:$0x1] =	wrdreg $0xFFFFFFFF  }
0xb4: {  	[dreg:$0x0] =	wrdreg $0x60  }
0xb5: {  	[dreg:$0x2] =	wrdreg s15  }
0xb6: {  	[dreg:$0x3] =	wrdreg s4  }
0xb7: {  	[dreg:$0x4] =	wrdreg s16  }
0xb8: {  	[dreg:$0x5] =	wrdreg s17  }
0xb9: {  	[dreg:$0x6] =	wrdreg s24  }
0xba: {  	[dreg:$0x7] =	wrdreg $0x0  }
0xbb: {  	[dreg:$0x8] =	wrdreg $0x9  }
0xbc: {  	_ =	task.clear_ibuf [dreg:s10], $0x9FFFF;
	_ =	strace $0x90000046  }
0xbd: {  	s29 =	simm.s32 $0x9;
	_ =	strace $0x80000048  }
0xbe: {  	_ =	swait.ge [sflag:s29], $0x1  }
0xbf: {  	[sflag:s29] =	ssyncadd.s32 $0xFFFFFFFF  }
0xc0: {  	_ =	strace $0x90000048  }
0xc1: {  	_ =	sfence  }
0xc2: {  	s30 =	sld [smem:$0x0];
	_ =	sdelay $0x2  }
0xc3: {  	s31 =	sshll.u32 s1, $0xD;
	s1 =	sshrl.u32 s1, $0x2  }
0xc4: {  	s3 =	sand.u32 $0x4000, s31;
	s1 =	sadd.s32 s1, s30  }
0xc5: {  	s0 =	sor.u32 s3, s0;
	s1 =	sshll.u32 s1, $0x11  }
0xc6: {  	s0 =	sor.u32 s1, s0  }
0xc7: {  	s0 =	sadd.s32 $0x8F2B, s0  }
0xc8: {  	[sflag:s0] =	ssyncadd.remote.s32 $0x1  }
0xc9: {  	_ =	sfence.sel $0xFFFF  }
0xca: {  	[dreg:$0x0] =	wrdreg $0xFFFFFFFF;
	(pc) =	sbr.abs _section_cstart, $3  }
0xcb: {  	[dreg:$0x1] =	wrdreg $0xFFFFFFFF  }
0xcc: {  	_ =	task.clear_ibuf [dreg:s10], $0x2FFFF;
	_ =	strace $0x9FFFFFFF  }
0xcd: {  	(tm) =	ssettm $0x7FFFFFFF  }
tec
execute0_lowered:
.L_overlay_start_1:
0x0: {  	(tag) =	ssettag $0x1  }
0x1: {  	s1 =	rddreg [dreg:$0x0]  }
0x2: {  	s2 =	rddreg [dreg:$0x1]  }
0x3: {  	s3 =	rddreg [dreg:$0x2]  }
0x4: {  	s14 =	rddreg [dreg:$0x3]  }
0x5: {  	s7 =	rddreg [dreg:$0x4]  }
0x6: {  	s5 =	rddreg [dreg:$0x5]  }
0x7: {  	s0 =	rddreg [dreg:$0x6];
	s6 =	simm.s32 $0x0  }
0x8: {  	s4 =	stileid.u32;
	s8 =	srdreg.scid;
	s18 =	simm.s32 $0xA410  }
0x9: {  	s19 =	simm.s32 $0xABE0;
	s20 =	simm.s32 $0x7D0;
	s21 =	simm.s32 $0xB3B0  }
0xa: {  	s22 =	simm.s32 $0xBB80;
	s23 =	simm.s32 $0x1;
	s24 =	simm.s32 $0x0  }
0xb: {  	[smem:$0x7FF] =	sst s6;
	s9 =	smul.u32 $0x27100, s4;
	s12 =	sand.u32 $0x1, s8  }
0xc: {  	s13 =	smul.u32 $0x9C40, s4;
	s15 =	sadd.s32 $0xA00, s7;
	_ =	strace $0x80000047  }
0xd: {  	s8 =	ssub.s32 $0x2, s12;
	s17 =	sshll.u32 s12, $0x4;
	p0 =	seq.s32 s12, $0x1  }
0xe: {  	s9 =	sshrl.u32 s9, $0x2;
	s30 =	sshrl.u32 s8, $0x1;
	s7 =	sadd.s32 s13, s5  }
0xf: {  	s17 =	sor.u32 s4, s17;
	s31 =	sshrl.u32 s13, $0x3;
	s14 =	smov.u32 @p0 s15  }
0x10: {  	s15 =	simm.s32 $0x13880;
	s11 =	sadd.s32 s9, s5;
	s16 =	ssub.s32 s8, s30  }
0x11: {  	s12 =	smul.u32 $0x2710, s17;
	s14 =	sadd.s32 s14, s31;
	s17 =	simm.s32 $0x9C40  }
0x12: {  	s8 =	sadd.s32 $0x1F40, s11;
	s9 =	sadd.s32 $0x3E80, s11;
	s10 =	sadd.s32 $0x5DC0, s11  }
0x13: {  	v0 =	vimm.f32 $0.0e+00;
	v1 =	vimm.f32 $1.000000000e+00;
	s11 =	sadd.s32 $0x7D00, s11;
	s13 =	smax.u32 s16, $0x1;
	s16 =	simm.s32 $0x2  }
.LBB2_1:
0x14: {  	s25 =	simm.s32 $0x0  }
.LBB2_2:
0x15: {  	p0 =	sne.s32 s25, $0x7CC0  }
.Ltmp0:
0x16: {  	_ = 	snop;
	(pc) =	sbr.rel @p0 .LBB2_2-.Ltmp0, $3  }
0x17: {  	_ =	sdelay $0x1  }
0x18: {  	s26 =	sshra.s32 s25, $0x2  }
0x19: {  	s25 =	sadd.s32 $0x40, s25;
	[tilespmem:s26+$0x13880] =	vst v0  }
0x1a: {  	s25 =	simm.s32 $0x40;
	s26 =	simm.s32 $0x0  }
.LBB2_4:
0x1b: {  	p0 =	sne.s32 s25, $0x1F3C0;
	[tilespmem:s26+$0xBB80] =	vst v1;
	s26 =	smov.u32 s25;
	s25 =	sadd.s32 $0x40, s25  }
.Ltmp1:
0x1c: {  	(pc) =	sbr.rel @p0 .LBB2_4-.Ltmp1, $2  }
0x1d: {  	_ =	sdelay $0x2  }
0x1e: {  	s26 =	sshra.s32 s26, $0x2  }
0x1f: {  	[tilespmem:s26+$0xBB80] =	vst v1  }
0x20: {  	[spmem:s7] =	stream.linear.scatter [tilespmem:s15], [sflag:$0x2], $0x1F40, $0x38;
	[tilespmem:$0x157C0] =	vst v63  }
0x21: {  	_ =	swait.ge [sflag:s16], $0x1F40  }
0x22: {  	[sflag:s16] =	ssyncset.done $0x0  }
0x23: {  	[sflag:s16] =	ssyncadd.s32 $0xFFFFE0C0  }
0x24: {  	[spmem:s8] =	stream.linear.scatter [tilespmem:s15], [sflag:$0x2], $0x1F40, $0x38;
	[tilespmem:$0x157C0] =	vst v63  }
0x25: {  	_ =	swait.ge [sflag:s16], $0x1F40  }
0x26: {  	[sflag:s16] =	ssyncset.done $0x0  }
0x27: {  	[sflag:s16] =	ssyncadd.s32 $0xFFFFE0C0  }
0x28: {  	[spmem:s9] =	stream.linear.scatter [tilespmem:s15], [sflag:$0x2], $0x1F40, $0x38;
	[tilespmem:$0x157C0] =	vst v63  }
0x29: {  	_ =	swait.ge [sflag:s16], $0x1F40  }
0x2a: {  	[sflag:s16] =	ssyncset.done $0x0  }
0x2b: {  	[sflag:s16] =	ssyncadd.s32 $0xFFFFE0C0  }
0x2c: {  	[spmem:s10] =	stream.linear.scatter [tilespmem:s15], [sflag:$0x2], $0x1F40, $0x38;
	[tilespmem:$0x157C0] =	vst v63  }
0x2d: {  	_ =	swait.ge [sflag:s16], $0x1F40  }
0x2e: {  	[sflag:s16] =	ssyncset.done $0x0  }
0x2f: {  	[sflag:s16] =	ssyncadd.s32 $0xFFFFE0C0  }
0x30: {  	[spmem:s11] =	stream.linear.scatter [tilespmem:s15], [sflag:$0x2], $0x1F40, $0x38;
	[tilespmem:$0x157C0] =	vst v63  }
0x31: {  	_ =	swait.ge [sflag:s16], $0x1F40  }
0x32: {  	[sflag:s16] =	ssyncset.done $0x0  }
0x33: {  	[sflag:s16] =	ssyncadd.s32 $0xFFFFE0C0  }
0x34: {  	s25 =	simm.s32 $0x0;
	s26 =	simm.s32 $0x0;
	[bflag:$0x0] =	sbarrier.arrive $0xFFFF  }
.LBB2_6:
0x35: {  	s28 =	smul.u32 $0x7D0, s26;
	_ =	sdelay $0x1  }
0x36: {  	s28 =	sadd.s32 s12, s28  }
0x37: {  	s28 =	sshrl.u32 s28, $0x3  }
0x38: {  	s29 =	sadd.s32 s1, s28  }
0x39: {  	[tilespmem:s17], [sflag:$0x2] =	stream.linear.gather [hbm4b:s29+s25], $0x7D0, $0x38;
	[tilespmem:$0x157C0] =	vst v63  }
0x3a: {  	_ =	swait.ge [sflag:s16], $0x7D0  }
0x3b: {  	[sflag:s16] =	ssyncset.done $0x0  }
0x3c: {  	s29 =	sadd.s32 s2, s28;
	[sflag:s16] =	ssyncadd.s32 $0xFFFFF830  }
0x3d: {  	[tilespmem:s18], [sflag:$0x2] =	stream.linear.gather [hbm4b:s29+s25], $0x7D0, $0x38;
	[tilespmem:$0x157C0] =	vst v63  }
0x3e: {  	_ =	swait.ge [sflag:s16], $0x7D0  }
0x3f: {  	[sflag:s16] =	ssyncset.done $0x0  }
0x40: {  	s29 =	simm.s32 $0x0;
	[sflag:s16] =	ssyncadd.s32 $0xFFFFF830  }
0x41: {  	v2 =	vld [tilespmem:s29+$0xA410];
	_ =	sdelay $0x1  }
0x42: {  	v3 =	vld [tilespmem:s29+$0x9C40]  }
0x43: {  	s30 =	simm.s32 $0x40  }
.LBB2_7:
0x44: {  	p0 =	sne.s32 s30, $0x1F00  }
.Ltmp2:
0x45: {  	s31 =	sshra.s32 s30, $0x2;
	s30 =	sadd.s32 $0x40, s30;
	v4 =	vmul.u32 $0x2710, v2;
	v5 =	vmov v2;
	(pc) =	sbr.rel @p0 .LBB2_7-.Ltmp2, $4  }
0x46: {  	v2 =	vld [tilespmem:s31+$0xA410]  }
0x47: {  	v4 =	vadd.s32 v3, v4;
	v6 =	vshll.u32 v3, $0x2  }
0x48: {  	v3 =	vld [tilespmem:s31+$0x9C40];
	[tilespmem:s29+$0xABE0] =	vst v4;
	v4 =	vadd.s32 v5, v6  }
0x49: {  	[tilespmem:s29+$0xB3B0] =	vst v4;
	s29 =	smov.u32 s31  }
0x4a: {  	_ = 	snop  }
0x4b: {  	v4 =	vmul.u32 $0x2710, v2;
	_ =	sdelay $0x1  }
0x4c: {  	v4 =	vadd.s32 v3, v4;
	v3 =	vshll.u32 v3, $0x2  }
0x4d: {  	[tilespmem:s29+$0xABE0] =	vst v4;
	v2 =	vadd.s32 v2, v3  }
0x4e: {  	s28 =	sadd.s32 s3, s28;
	[tilespmem:s29+$0xB3B0] =	vst v2  }
0x4f: {  	[hbm4b:s28+s6] =	stream.linear.scatter [tilespmem:s19], [sflag:$0x2], $0x7D0, $0x38;
	[tilespmem:$0x157C0] =	vst v63  }
0x50: {  	s26 =	sadd.s32 $0x1, s26;
	_ =	swait.ge [sflag:s16], $0x7D0  }
0x51: {  	p0 =	sne.s32 s26, $0x5;
	[sflag:s16] =	ssyncset.done $0x0  }
.Ltmp3:
0x52: {  	[sflag:s16] =	ssyncadd.s32 $0xFFFFF830;
	(pc) =	sbr.rel @p0 .LBB2_6-.Ltmp3, $4  }
0x53: {  	[spmem:s5] =	stream.indirect.scatter.add.f32 [tilespmem:s22], [sflag:$0x1], $0x10, s21, s20, $0xb8;
	[tilespmem:$0x157C0] =	vst v63  }
0x54: {  	_ =	swait.ge [sflag:s23], $0x7D00  }
0x55: {  	[sflag:s23] =	ssyncset.done $0x0  }
0x56: {  	[sflag:s23] =	ssyncadd.s32 $0xFFFF8300  }
0x57: {  	s24 =	sadd.s32 $0x1, s24  }
0x58: {  	s25 =	sshll.u32 s4, $0x6;
	[bflag:$0x0] =	sbarrier.arrive $0xFFFF;
	p0 =	sne.s32 s24, s13  }
.Ltmp4:
0x59: {  	s26 =	sshrl.u32 s7, $0x3;
	s25 =	sor.u32 $0x1C02, s25;
	(pc) =	sbr.rel @p0 .LBB2_1-.Ltmp4, $4  }
0x5a: {  	[hbm:s14], [sflag:s25] =	dma.local [spmem:s26], $0x1388  }
0x5b: {  	_ =	swait.ge [sflag:s16], $0x1388  }
0x5c: {  	[sflag:s16] =	ssyncset.done $0x0  }
0x5d: {  	[sflag:s16] =	ssyncadd.s32 $0xFFFFEC78  }
0x5e: {  	_ =	sfence.sel $0x180000  }
0x5f: {  	[bflag:$0x0] =	sbarrier.arrive $0xFFFF  }
0x60: {  	p0 =	sne.s32 s4, $0x0;
	_ =	strace $0x90000047  }
0x61: {  	s0 =	sadd.s32 @!p0 $0x100000, s0;
	[bflag:$0x2] =	sbarrier.arrive $0xFFFF  }
0x62: {  	[sflag:s0] =	ssyncadd.tile.s32 @!p0 $0x1;
	_ =	shalt  }
.Lfunc_end2:
_tile_overlayer_lowered:
.L_overlay_start_2:
0x63: {  	(tag) =	ssettag $0x2  }
0x64: {  	s0 =	rddreg [dreg:$0x0];
	s2 =	stileid.u32  }
0x65: {  	s1 =	rddreg [dreg:$0x1];
	p0 =	sne.s32 s2, $0x0  }
0x66: {  	s3 =	rddreg [dreg:$0x2];
	[bflag:$0x3] =	sbarrier.arrive $0xFFFF;
	s2 =	simm.s32 @!p0 $0x1C02  }
0x67: {  	[timem:s3], [sflag:s2] =	dma.local @!p0 [hbm:s0], s1  }
0x68: {  	s0 =	simm.s32 @!p0 $0x2  }
0x69: {  	_ =	swait.ge @!p0 [sflag:s0], s1  }
0x6a: {  	s1 =	ssub.s32 @!p0 $0x0, s1;
	[sflag:s0] =	ssyncset.done @!p0 $0x0  }
0x6b: {  	[sflag:s0] =	ssyncadd.s32 @!p0 s1  }
0x6c: {  	[bflag:$0x3] =	sbarrier.arrive $0xFFFF  }
0x6d: {  	_ =	shalt  }

</sc_bundles>
